<compile_context>
chip_gen: v7x
topology: tpu7x:2x2x1
jax: 0.10.2.dev20260603
libtpu: 0.0.44.dev20260713+nightly
codegen_flags: <defaults>
</compile_context>

<pallas_src>
import functools

import jax
import jax.numpy as jnp
from jax import lax
from jax.experimental import pallas as pl
from jax.experimental.pallas import tpu as pltpu
from jax.experimental.pallas import tpu_sc as plsc

_B = 1024
_V = 100000
_L = 16
_NS = 16
_RPW = _B // _NS
_CH = _RPW // _L


@functools.partial(
    pl.kernel,
    mesh=plsc.VectorSubcoreMesh(
        core_axis_name="c", subcore_axis_name="s", num_cores=1),
    out_type=jax.ShapeDtypeStruct((_L,), jnp.float32),
    compiler_params=pltpu.CompilerParams(needs_layout_passes=False),
    scratch_types=[
        pltpu.VMEM((_RPW,), jnp.int32),
        pltpu.VMEM((_RPW,), jnp.float32),
        pltpu.VMEM((_RPW, 128), jnp.float32),
        pltpu.VMEM((_L,), jnp.float32),
        pltpu.VMEM((_NS * _L,), jnp.float32),
        pltpu.VMEM_SHARED((_NS * _L,), jnp.float32),
        pltpu.SemaphoreType.DMA,
        pltpu.SemaphoreType.DMA,
        pltpu.SemaphoreType.DMA,
    ],
)
def _pg_loss(predt_hbm, tgt_hbm, rew_hbm, out_hbm,
             tgt_v, rew_v, blk_v, acc_v, all_v, shared, sem, sem_t, sem_r):
    sid = lax.axis_index("s")
    base = sid * _RPW
    ct = pltpu.async_copy(tgt_hbm.at[pl.ds(base, _RPW)], tgt_v, sem_t)
    cr = pltpu.async_copy(rew_hbm.at[pl.ds(base, _RPW)], rew_v, sem_r)
    base128 = (sid // 2) * 128
    off = (sid % 2) * _RPW
    ct.wait()
    cg = pltpu.async_copy(predt_hbm.at[tgt_v, pl.ds(base128, 128)], blk_v, sem)
    cr.wait()
    cg.wait()
    lane = lax.iota(jnp.int32, _L)
    acc = jnp.zeros((_L,), jnp.float32)
    for j in range(_CH):
        vals = plsc.load_gather(blk_v, [lane + j * _L, lane + (off + j * _L)])
        acc = acc + vals * rew_v[pl.ds(j * _L, _L)]
    acc_v[...] = acc
    pltpu.sync_copy(acc_v, shared.at[pl.ds(sid * _L, _L)])
    plsc.subcore_barrier()

    @pl.when(sid == 0)
    def _():
        pltpu.sync_copy(shared, all_v)
        tot = jnp.zeros((_L,), jnp.float32)
        for s in range(_NS):
            tot = tot + all_v[pl.ds(s * _L, _L)]
        loss = -jnp.sum(tot)
        acc_v[...] = jnp.full((_L,), loss, jnp.float32)
        pltpu.sync_copy(acc_v, out_hbm)


def kernel(pred, target, reward):
    tgt = target.astype(jnp.int32)
    out = _pg_loss(pred.T, tgt, reward)
    return out[0]

# --- scband reference (transcript-rebuilt; emitter-appended) ---
"""Pipeline reference for scband-pgloss-32435593019744 (READ-ONLY COPY).

The authoritative reference and input builder live on the scoring server;
editing this copy changes nothing except your own understanding.
"""

import jax, jax.numpy as jnp
import numpy as np

def setup_inputs(seed: int = 0) -> dict:
    key = jax.random.key(seed)
    k1, k2, k3 = jax.random.split(key, 3)
    pred = jax.random.normal(k1, (1024, 100000), dtype=jnp.float32)
    target = jax.random.randint(k2, (1024,), 0, 100000, dtype=jnp.int64)
    reward = jax.random.normal(k3, (1024,), dtype=jnp.float32)
    return {"pred": pred, "target": target, "reward": reward}

def reference(pred, target, reward):
    # ignore_index == -100 (default), so the masking branch is skipped.
    # one_hot scatter + masked_select selects pred[i, target[i]] per row (row-major order).
    sel = jnp.take_along_axis(pred, target[:, None], axis=1)[:, 0]
    loss = -jnp.sum(sel * reward)
    return loss

if __name__ == "__main__":
    import jax
    _d = setup_inputs()
    print(jax.jit(kernel)(*tuple(_d.values())))

</pallas_src>

<mosaic_0001>
#map = affine_map<(d0, d1) -> (0, 0)>
#map1 = affine_map<(d0, d1) -> (0)>
module attributes {stable_mosaic.version = 14 : i64} {
  func.func @_pg_loss(%arg0: i32, %arg1: i32, %arg2: memref<100000x1024xf32, #tpu.memory_space<hbm>>, %arg3: memref<1024xi32, #tpu.memory_space<hbm>>, %arg4: memref<1024xf32, #tpu.memory_space<hbm>>, %arg5: memref<16xf32, #tpu.memory_space<hbm>>, %arg6: memref<64xi32, #tpu.memory_space<vmem>>, %arg7: memref<64xf32, #tpu.memory_space<vmem>>, %arg8: memref<64x128xf32, #tpu.memory_space<vmem>>, %arg9: memref<16xf32, #tpu.memory_space<vmem>>, %arg10: memref<256xf32, #tpu.memory_space<vmem>>, %arg11: memref<256xf32, #tpu.memory_space<vmem_shared>>, %arg12: memref<!tpu.dma_semaphore, #tpu.memory_space<semaphore_mem>>, %arg13: memref<!tpu.dma_semaphore, #tpu.memory_space<semaphore_mem>>, %arg14: memref<!tpu.dma_semaphore, #tpu.memory_space<semaphore_mem>>) attributes {dimension_semantics = [#tpu.dimension_semantics<core_parallel>, #tpu.dimension_semantics<subcore_parallel>], iteration_bounds = array<i64: 1, 16>, scalar_prefetch = 0 : i64, scratch_operands = 9 : i64, tpu.core_type = #tpu.core_type<sc_vector_subcore>, window_params = [{transform_indices = #map}, {transform_indices = #map1}, {transform_indices = #map1}, {transform_indices = #map1}]} {
    %mul3A = arith.constant 64 : i32
    %mul3A_0 = arith.muli %arg1, %mul3A : i32
    %dma_start3A = tpu.memref_slice %arg3[%mul3A_0] : memref<1024xi32, #tpu.memory_space<hbm>> -> memref<64xi32, #tpu.memory_space<hbm>>
    %dma_start3A_1 = tpu.memref_slice %arg3[%mul3A_0] : memref<1024xi32, #tpu.memory_space<hbm>> -> memref<64xi32, #tpu.memory_space<hbm>>
    tpu.enqueue_dma source(%dma_start3A_1 : memref<64xi32, #tpu.memory_space<hbm>>) target(%arg6 : memref<64xi32, #tpu.memory_space<vmem>>) target_semaphore(%arg13 : memref<!tpu.dma_semaphore, #tpu.memory_space<semaphore_mem>>)
    %dma_start3A_2 = tpu.memref_slice %arg4[%mul3A_0] : memref<1024xf32, #tpu.memory_space<hbm>> -> memref<64xf32, #tpu.memory_space<hbm>>
    %dma_start3A_3 = tpu.memref_slice %arg4[%mul3A_0] : memref<1024xf32, #tpu.memory_space<hbm>> -> memref<64xf32, #tpu.memory_space<hbm>>
    tpu.enqueue_dma source(%dma_start3A_3 : memref<64xf32, #tpu.memory_space<hbm>>) target(%arg7 : memref<64xf32, #tpu.memory_space<vmem>>) target_semaphore(%arg14 : memref<!tpu.dma_semaphore, #tpu.memory_space<semaphore_mem>>)
    %jit3A = arith.constant 2 : i32
    %div3A = arith.divsi %arg1, %jit3A : i32
    %sign3A = arith.constant 0 : i32
    %sign3A_4 = arith.cmpi sgt, %arg1, %sign3A : i32
    %sign3A_5 = arith.extui %sign3A_4 : i1 to i32
    %sign3A_6 = arith.constant 0 : i32
    %sign3A_7 = arith.cmpi slt, %arg1, %sign3A_6 : i32
    %sign3A_8 = arith.extui %sign3A_7 : i1 to i32
    %sign3A_9 = arith.subi %sign3A_5, %sign3A_8 : i32
    %sign3A_10 = arith.constant 0 : i32
    %sign3A_11 = arith.cmpi sgt, %jit3A, %sign3A_10 : i32
    %sign3A_12 = arith.extui %sign3A_11 : i1 to i32
    %sign3A_13 = arith.constant 0 : i32
    %sign3A_14 = arith.cmpi slt, %jit3A, %sign3A_13 : i32
    %sign3A_15 = arith.extui %sign3A_14 : i1 to i32
    %sign3A_16 = arith.subi %sign3A_12, %sign3A_15 : i32
    %ne3A = arith.cmpi ne, %sign3A_9, %sign3A_16 : i32
    %rem3A = arith.remsi %arg1, %jit3A : i32
    %ne3A_17 = arith.constant 0 : i32
    %ne3A_18 = arith.cmpi ne, %rem3A, %ne3A_17 : i32
    %and3A = arith.andi %ne3A, %ne3A_18 : i1
    %sub3A = arith.constant 1 : i32
    %sub3A_19 = arith.subi %div3A, %sub3A : i32
    %select_n3A = arith.select %and3A, %sub3A_19, %div3A : i32
    %mul3A_20 = arith.constant 128 : i32
    %mul3A_21 = arith.muli %select_n3A, %mul3A_20 : i32
    %jit3A_22 = arith.constant 2 : i32
    %eq3A = arith.constant 0 : i32
    %eq3A_23 = arith.cmpi eq, %jit3A_22, %eq3A : i32
    %jit3A_24 = arith.constant 1 : i32
    %select_n3A_25 = arith.select %eq3A_23, %jit3A_24, %jit3A_22 : i32
    %rem3A_26 = arith.remsi %arg1, %select_n3A_25 : i32
    %ne3A_27 = arith.constant 0 : i32
    %ne3A_28 = arith.cmpi ne, %rem3A_26, %ne3A_27 : i32
    %lt3A = arith.constant 0 : i32
    %lt3A_29 = arith.cmpi slt, %rem3A_26, %lt3A : i32
    %lt3A_30 = arith.constant 0 : i32
    %lt3A_31 = arith.cmpi slt, %select_n3A_25, %lt3A_30 : i32
    %ne3A_32 = arith.xori %lt3A_29, %lt3A_31 : i1
    %and3A_33 = arith.andi %ne3A_32, %ne3A_28 : i1
    %add3A = arith.addi %rem3A_26, %select_n3A_25 : i32
    %select_n3A_34 = arith.select %and3A_33, %add3A, %rem3A_26 : i32
    %mul3A_35 = arith.constant 64 : i32
    %mul3A_36 = arith.muli %select_n3A_34, %mul3A_35 : i32
    %dma_wait3A = tpu.memref_slice %arg3[%mul3A_0] : memref<1024xi32, #tpu.memory_space<hbm>> -> memref<64xi32, #tpu.memory_space<hbm>>
    %dma_wait3A_37 = tpu.memref_slice %arg3[%mul3A_0] : memref<1024xi32, #tpu.memory_space<hbm>> -> memref<64xi32, #tpu.memory_space<hbm>>
    tpu.wait_dma2 semaphore(%arg13 : memref<!tpu.dma_semaphore, #tpu.memory_space<semaphore_mem>>) src(%dma_wait3A_37 : memref<64xi32, #tpu.memory_space<hbm>>) dst(%arg6 : memref<64xi32, #tpu.memory_space<vmem>>)
    %dma_start3A_38 = arith.constant 0 : i32
    %dma_start3A_39 = tpu.memref_slice %arg2[%dma_start3A_38, %mul3A_21] : memref<100000x1024xf32, #tpu.memory_space<hbm>> -> memref<100000x128xf32, #tpu.memory_space<hbm>>
    tpu.enqueue_indirect_dma source(%dma_start3A_39 : memref<100000x128xf32, #tpu.memory_space<hbm>>) target(%arg8 : memref<64x128xf32, #tpu.memory_space<vmem>>) offsets(%arg6 : memref<64xi32, #tpu.memory_space<vmem>>) semaphore(%arg12 : memref<!tpu.dma_semaphore, #tpu.memory_space<semaphore_mem>>)
    %dma_wait3A_40 = tpu.memref_slice %arg4[%mul3A_0] : memref<1024xf32, #tpu.memory_space<hbm>> -> memref<64xf32, #tpu.memory_space<hbm>>
    %dma_wait3A_41 = tpu.memref_slice %arg4[%mul3A_0] : memref<1024xf32, #tpu.memory_space<hbm>> -> memref<64xf32, #tpu.memory_space<hbm>>
    tpu.wait_dma2 semaphore(%arg14 : memref<!tpu.dma_semaphore, #tpu.memory_space<semaphore_mem>>) src(%dma_wait3A_41 : memref<64xf32, #tpu.memory_space<hbm>>) dst(%arg7 : memref<64xf32, #tpu.memory_space<vmem>>)
    %dma_wait3A_42 = arith.constant 0 : i32
    %dma_wait3A_43 = tpu.memref_slice %arg2[%dma_wait3A_42, %mul3A_21] : memref<100000x1024xf32, #tpu.memory_space<hbm>> -> memref<100000x128xf32, #tpu.memory_space<hbm>>
    tpu.wait_indirect_dma semaphore(%arg12 : memref<!tpu.dma_semaphore, #tpu.memory_space<semaphore_mem>>) src(%dma_wait3A_43 : memref<100000x128xf32, #tpu.memory_space<hbm>>) dst(%arg8 : memref<64x128xf32, #tpu.memory_space<vmem>>)
    %iota3A = tpu.iota {dimensions = array<i32: 0>} : vector<16xi32>
    %broadcast_in_dim3A = arith.constant 0.000000e+00 : f32
    %broadcast_in_dim3A_44 = vector.broadcast %broadcast_in_dim3A : f32 to vector<16xf32>
    %add3A_45 = arith.constant 0 : i32
    %add3A_46 = vector.broadcast %add3A_45 : i32 to vector<16xi32>
    %add3A_47 = arith.addi %iota3A, %add3A_46 : vector<16xi32>
    %add3A_48 = arith.constant 0 : i32
    %add3A_49 = arith.addi %mul3A_36, %add3A_48 : i32
    %add3A_50 = vector.broadcast %add3A_49 : i32 to vector<16xi32>
    %add3A_51 = arith.addi %iota3A, %add3A_50 : vector<16xi32>
    %gather3A = tpu.vector_load_idx %arg8[%add3A_47, %add3A_51] : memref<64x128xf32, #tpu.memory_space<vmem>>[vector<16xi32>, vector<16xi32>], vector<16xf32>,
    %get3A = arith.constant 0 : index
    %get3A_52 = tpu.vector_load %arg7[%get3A] {strides = array<i32>} : memref<64xf32, #tpu.memory_space<vmem>>, vector<16xf32>,
    %mul3A_53 = arith.mulf %gather3A, %get3A_52 : vector<16xf32>
    %add3A_54 = arith.addf %broadcast_in_dim3A_44, %mul3A_53 : vector<16xf32>
    %add3A_55 = arith.constant 16 : i32
    %add3A_56 = vector.broadcast %add3A_55 : i32 to vector<16xi32>
    %add3A_57 = arith.addi %iota3A, %add3A_56 : vector<16xi32>
    %add3A_58 = arith.constant 16 : i32
    %add3A_59 = arith.addi %mul3A_36, %add3A_58 : i32
    %add3A_60 = vector.broadcast %add3A_59 : i32 to vector<16xi32>
    %add3A_61 = arith.addi %iota3A, %add3A_60 : vector<16xi32>
    %gather3A_62 = tpu.vector_load_idx %arg8[%add3A_57, %add3A_61] : memref<64x128xf32, #tpu.memory_space<vmem>>[vector<16xi32>, vector<16xi32>], vector<16xf32>,
    %get3A_63 = arith.constant 16 : index
    %get3A_64 = tpu.vector_load %arg7[%get3A_63] {strides = array<i32>} : memref<64xf32, #tpu.memory_space<vmem>>, vector<16xf32>,
    %mul3A_65 = arith.mulf %gather3A_62, %get3A_64 : vector<16xf32>
    %add3A_66 = arith.addf %add3A_54, %mul3A_65 : vector<16xf32>
    %add3A_67 = arith.constant 32 : i32
    %add3A_68 = vector.broadcast %add3A_67 : i32 to vector<16xi32>
    %add3A_69 = arith.addi %iota3A, %add3A_68 : vector<16xi32>
    %add3A_70 = arith.constant 32 : i32
    %add3A_71 = arith.addi %mul3A_36, %add3A_70 : i32
    %add3A_72 = vector.broadcast %add3A_71 : i32 to vector<16xi32>
    %add3A_73 = arith.addi %iota3A, %add3A_72 : vector<16xi32>
    %gather3A_74 = tpu.vector_load_idx %arg8[%add3A_69, %add3A_73] : memref<64x128xf32, #tpu.memory_space<vmem>>[vector<16xi32>, vector<16xi32>], vector<16xf32>,
    %get3A_75 = arith.constant 32 : index
    %get3A_76 = tpu.vector_load %arg7[%get3A_75] {strides = array<i32>} : memref<64xf32, #tpu.memory_space<vmem>>, vector<16xf32>,
    %mul3A_77 = arith.mulf %gather3A_74, %get3A_76 : vector<16xf32>
    %add3A_78 = arith.addf %add3A_66, %mul3A_77 : vector<16xf32>
    %add3A_79 = arith.constant 48 : i32
    %add3A_80 = vector.broadcast %add3A_79 : i32 to vector<16xi32>
    %add3A_81 = arith.addi %iota3A, %add3A_80 : vector<16xi32>
    %add3A_82 = arith.constant 48 : i32
    %add3A_83 = arith.addi %mul3A_36, %add3A_82 : i32
    %add3A_84 = vector.broadcast %add3A_83 : i32 to vector<16xi32>
    %add3A_85 = arith.addi %iota3A, %add3A_84 : vector<16xi32>
    %gather3A_86 = tpu.vector_load_idx %arg8[%add3A_81, %add3A_85] : memref<64x128xf32, #tpu.memory_space<vmem>>[vector<16xi32>, vector<16xi32>], vector<16xf32>,
    %get3A_87 = arith.constant 48 : index
    %get3A_88 = tpu.vector_load %arg7[%get3A_87] {strides = array<i32>} : memref<64xf32, #tpu.memory_space<vmem>>, vector<16xf32>,
    %mul3A_89 = arith.mulf %gather3A_86, %get3A_88 : vector<16xf32>
    %add3A_90 = arith.addf %add3A_78, %mul3A_89 : vector<16xf32>
    %swap3A = arith.constant 0 : index
    %swap3A_91 = tpu.vector_load %arg9[%swap3A] {strides = array<i32>} : memref<16xf32, #tpu.memory_space<vmem>>, vector<16xf32>,
    tpu.vector_store %arg9[%swap3A], %add3A_90 {strides = array<i32>} : memref<16xf32, #tpu.memory_space<vmem>>, vector<16xf32>,
    %mul3A_92 = arith.constant 16 : i32
    %mul3A_93 = arith.muli %arg1, %mul3A_92 : i32
    "tpu.region"() ({
      %run_scoped3A = tpu.sem_alloc : memref<!tpu.dma_semaphore, #tpu.memory_space<semaphore_mem>>
      %dma_start3A_97 = tpu.memref_slice %arg11[%mul3A_93] : memref<256xf32, #tpu.memory_space<vmem_shared>> -> memref<16xf32, #tpu.memory_space<vmem_shared>>
      %dma_start3A_98 = tpu.memref_slice %arg11[%mul3A_93] : memref<256xf32, #tpu.memory_space<vmem_shared>> -> memref<16xf32, #tpu.memory_space<vmem_shared>>
      tpu.enqueue_dma source(%arg9 : memref<16xf32, #tpu.memory_space<vmem>>) target(%dma_start3A_98 : memref<16xf32, #tpu.memory_space<vmem_shared>>) target_semaphore(%run_scoped3A : memref<!tpu.dma_semaphore, #tpu.memory_space<semaphore_mem>>)
      %dma_wait3A_99 = tpu.memref_slice %arg11[%mul3A_93] : memref<256xf32, #tpu.memory_space<vmem_shared>> -> memref<16xf32, #tpu.memory_space<vmem_shared>>
      %dma_wait3A_100 = tpu.memref_slice %arg11[%mul3A_93] : memref<256xf32, #tpu.memory_space<vmem_shared>> -> memref<16xf32, #tpu.memory_space<vmem_shared>>
      tpu.wait_dma2 semaphore(%run_scoped3A : memref<!tpu.dma_semaphore, #tpu.memory_space<semaphore_mem>>) src(%arg9 : memref<16xf32, #tpu.memory_space<vmem>>) dst(%dma_wait3A_100 : memref<16xf32, #tpu.memory_space<vmem_shared>>)
      tpu.yield
    }) : () -> ()
    %barrier3A = arith.constant 0 : index
    tpu.barrier barrier_id(%barrier3A)
    %eq3A_94 = arith.constant 0 : i32
    %eq3A_95 = arith.cmpi eq, %arg1, %eq3A_94 : i32
    %convert_element_type3A = arith.extui %eq3A_95 : i1 to i32
    %cond3A = arith.constant 0 : i32
    %cond3A_96 = arith.cmpi ne, %convert_element_type3A, %cond3A : i32
    scf.if %cond3A_96 {
      "tpu.region"() ({
        %run_scoped3A = tpu.sem_alloc : memref<!tpu.dma_semaphore, #tpu.memory_space<semaphore_mem>>
        tpu.enqueue_dma source(%arg11 : memref<256xf32, #tpu.memory_space<vmem_shared>>) target(%arg10 : memref<256xf32, #tpu.memory_space<vmem>>) target_semaphore(%run_scoped3A : memref<!tpu.dma_semaphore, #tpu.memory_space<semaphore_mem>>)
        tpu.wait_dma2 semaphore(%run_scoped3A : memref<!tpu.dma_semaphore, #tpu.memory_space<semaphore_mem>>) src(%arg11 : memref<256xf32, #tpu.memory_space<vmem_shared>>) dst(%arg10 : memref<256xf32, #tpu.memory_space<vmem>>)
        tpu.yield
      }) : () -> ()
      %broadcast_in_dim3A_97 = arith.constant 0.000000e+00 : f32
      %broadcast_in_dim3A_98 = vector.broadcast %broadcast_in_dim3A_97 : f32 to vector<16xf32>
      %get3A_99 = arith.constant 0 : index
      %get3A_100 = tpu.vector_load %arg10[%get3A_99] {strides = array<i32>} : memref<256xf32, #tpu.memory_space<vmem>>, vector<16xf32>,
      %add3A_101 = arith.addf %broadcast_in_dim3A_98, %get3A_100 : vector<16xf32>
      %get3A_102 = arith.constant 16 : index
      %get3A_103 = tpu.vector_load %arg10[%get3A_102] {strides = array<i32>} : memref<256xf32, #tpu.memory_space<vmem>>, vector<16xf32>,
      %add3A_104 = arith.addf %add3A_101, %get3A_103 : vector<16xf32>
      %get3A_105 = arith.constant 32 : index
      %get3A_106 = tpu.vector_load %arg10[%get3A_105] {strides = array<i32>} : memref<256xf32, #tpu.memory_space<vmem>>, vector<16xf32>,
      %add3A_107 = arith.addf %add3A_104, %get3A_106 : vector<16xf32>
      %get3A_108 = arith.constant 48 : index
      %get3A_109 = tpu.vector_load %arg10[%get3A_108] {strides = array<i32>} : memref<256xf32, #tpu.memory_space<vmem>>, vector<16xf32>,
      %add3A_110 = arith.addf %add3A_107, %get3A_109 : vector<16xf32>
      %get3A_111 = arith.constant 64 : index
      %get3A_112 = tpu.vector_load %arg10[%get3A_111] {strides = array<i32>} : memref<256xf32, #tpu.memory_space<vmem>>, vector<16xf32>,
      %add3A_113 = arith.addf %add3A_110, %get3A_112 : vector<16xf32>
      %get3A_114 = arith.constant 80 : index
      %get3A_115 = tpu.vector_load %arg10[%get3A_114] {strides = array<i32>} : memref<256xf32, #tpu.memory_space<vmem>>, vector<16xf32>,
      %add3A_116 = arith.addf %add3A_113, %get3A_115 : vector<16xf32>
      %get3A_117 = arith.constant 96 : index
      %get3A_118 = tpu.vector_load %arg10[%get3A_117] {strides = array<i32>} : memref<256xf32, #tpu.memory_space<vmem>>, vector<16xf32>,
      %add3A_119 = arith.addf %add3A_116, %get3A_118 : vector<16xf32>
      %get3A_120 = arith.constant 112 : index
      %get3A_121 = tpu.vector_load %arg10[%get3A_120] {strides = array<i32>} : memref<256xf32, #tpu.memory_space<vmem>>, vector<16xf32>,
      %add3A_122 = arith.addf %add3A_119, %get3A_121 : vector<16xf32>
      %get3A_123 = arith.constant 128 : index
      %get3A_124 = tpu.vector_load %arg10[%get3A_123] {strides = array<i32>} : memref<256xf32, #tpu.memory_space<vmem>>, vector<16xf32>,
      %add3A_125 = arith.addf %add3A_122, %get3A_124 : vector<16xf32>
      %get3A_126 = arith.constant 144 : index
      %get3A_127 = tpu.vector_load %arg10[%get3A_126] {strides = array<i32>} : memref<256xf32, #tpu.memory_space<vmem>>, vector<16xf32>,
      %add3A_128 = arith.addf %add3A_125, %get3A_127 : vector<16xf32>
      %get3A_129 = arith.constant 160 : index
      %get3A_130 = tpu.vector_load %arg10[%get3A_129] {strides = array<i32>} : memref<256xf32, #tpu.memory_space<vmem>>, vector<16xf32>,
      %add3A_131 = arith.addf %add3A_128, %get3A_130 : vector<16xf32>
      %get3A_132 = arith.constant 176 : index
      %get3A_133 = tpu.vector_load %arg10[%get3A_132] {strides = array<i32>} : memref<256xf32, #tpu.memory_space<vmem>>, vector<16xf32>,
      %add3A_134 = arith.addf %add3A_131, %get3A_133 : vector<16xf32>
      %get3A_135 = arith.constant 192 : index
      %get3A_136 = tpu.vector_load %arg10[%get3A_135] {strides = array<i32>} : memref<256xf32, #tpu.memory_space<vmem>>, vector<16xf32>,
      %add3A_137 = arith.addf %add3A_134, %get3A_136 : vector<16xf32>
      %get3A_138 = arith.constant 208 : index
      %get3A_139 = tpu.vector_load %arg10[%get3A_138] {strides = array<i32>} : memref<256xf32, #tpu.memory_space<vmem>>, vector<16xf32>,
      %add3A_140 = arith.addf %add3A_137, %get3A_139 : vector<16xf32>
      %get3A_141 = arith.constant 224 : index
      %get3A_142 = tpu.vector_load %arg10[%get3A_141] {strides = array<i32>} : memref<256xf32, #tpu.memory_space<vmem>>, vector<16xf32>,
      %add3A_143 = arith.addf %add3A_140, %get3A_142 : vector<16xf32>
      %get3A_144 = arith.constant 240 : index
      %get3A_145 = tpu.vector_load %arg10[%get3A_144] {strides = array<i32>} : memref<256xf32, #tpu.memory_space<vmem>>, vector<16xf32>,
      %add3A_146 = arith.addf %add3A_143, %get3A_145 : vector<16xf32>
      %reduce_sum3A = arith.constant true
      %reduce_sum3A_147 = vector.broadcast %reduce_sum3A : i1 to vector<16xi1>
      %reduce_sum3A_148 = tpu.scan <sum>, %add3A_146 masked %reduce_sum3A_147 : vector<16xf32>, vector<16xi1> -> vector<16xf32>
      %reduce_sum3A_149 = vector.extract %reduce_sum3A_148[15] : f32 from vector<16xf32>
      %neg3A = arith.constant 0.000000e+00 : f32
      %neg3A_150 = arith.subf %neg3A, %reduce_sum3A_149 : f32
      %broadcast_in_dim3A_151 = vector.broadcast %neg3A_150 : f32 to vector<16xf32>
      %swap3A_152 = arith.constant 0 : index
      %swap3A_153 = tpu.vector_load %arg9[%swap3A_152] {strides = array<i32>} : memref<16xf32, #tpu.memory_space<vmem>>, vector<16xf32>,
      tpu.vector_store %arg9[%swap3A_152], %broadcast_in_dim3A_151 {strides = array<i32>} : memref<16xf32, #tpu.memory_space<vmem>>, vector<16xf32>,
      "tpu.region"() ({
        %run_scoped3A = tpu.sem_alloc : memref<!tpu.dma_semaphore, #tpu.memory_space<semaphore_mem>>
        tpu.enqueue_dma source(%arg9 : memref<16xf32, #tpu.memory_space<vmem>>) target(%arg5 : memref<16xf32, #tpu.memory_space<hbm>>) target_semaphore(%run_scoped3A : memref<!tpu.dma_semaphore, #tpu.memory_space<semaphore_mem>>)
        tpu.wait_dma2 semaphore(%run_scoped3A : memref<!tpu.dma_semaphore, #tpu.memory_space<semaphore_mem>>) src(%arg9 : memref<16xf32, #tpu.memory_space<vmem>>) dst(%arg5 : memref<16xf32, #tpu.memory_space<hbm>>)
        tpu.yield
      }) : () -> ()
    } else {
    }
    return
  }
}

</mosaic_0001>

<sc_bundles>
// kernel: kernel.3.cloned.1.call-start
scs
__scs_entry_jumppad:
0x0: {  	(pc) =	sbr.rel $0x88, $3  }
0x1: {  	(tag) =	ssettag $0x0;
	lr =	simm.s32 $0x1  }
0x2: {  	[smem:$0x3F9E] =	sst lr;
	_ =	strace $0xD0000000  }
0x3: {  	_ = 	snop  }
0x4: {  	_ = 	snop  }
0x5: {  	_ = 	snop  }
0x6: {  	_ = 	snop  }
0x7: {  	_ = 	snop  }
__scs_overlays_trampoline_lowered:
0x8: {  	[smem:$0x3FAD] =	sst s0  }
0x9: {  	[smem:$0x3FAE] =	sst s1  }
0xa: {  	[smem:$0x3FAF] =	sst s2  }
0xb: {  	[smem:$0x3FB0] =	sst s3  }
0xc: {  	[smem:$0x3FB1] =	sst s4  }
0xd: {  	[smem:$0x3FB2] =	sst s5  }
0xe: {  	[smem:$0x3FB3] =	sst s6  }
0xf: {  	[smem:$0x3FB4] =	sst s7  }
0x10: {  	[smem:$0x3FB5] =	sst s8  }
0x11: {  	[smem:$0x3FB6] =	sst s9;
	s0 =	simm.s32 @!p0 $0x0  }
0x12: {  	s1 =	sld [smem:$0x3F9C];
	s0 =	simm.s32 @p0 $0x1  }
0x13: {  	[smem:$0x3FB7] =	sst s0;
	s0 =	simm.s32 @!p1 $0x0  }
0x14: {  	s2 =	sld [smem:$0x3F9B];
	s0 =	simm.s32 @p1 $0x1  }
0x15: {  	[smem:$0x3FB8] =	sst s0;
	s0 =	simm.s32 @!p2 $0x0  }
0x16: {  	s3 =	sld [smem:$0x3FDB];
	s0 =	simm.s32 @p2 $0x1  }
0x17: {  	s4 =	simm.s32 $0x1BF5;
	[smem:$0x3FBA] =	sst s0  }
0x18: {  	s0 =	sld [smem:$0x3F9D];
	_ =	swait.ge [sflag:s4], $0x0  }
0x19: {  	s7 =	sld [smem:$0x3F9E]  }
0x1a: {  	s8 =	sadd.s32 $0xFFFFE003, lr  }
0x1b: {  	s9 =	sadd.s32 $0xFFFFFEF7, lr;
	s5 =	simm.s32 $0xFFFFFFFF;
	p2 =	slt.u32 s8, $0xFFFFF086  }
0x1c: {  	p1 =	slt.u32 s9, $0xF7A;
	s5 =	simm.s32 @!p2 $0x0  }
0x1d: {  	s5 =	simm.s32 @p1 $0x1;
	p0 =	seq.s32 s7, s2  }
0x1e: {  	s7 =	smul.u32 @!p0 $0xF7A, s2;
	p2 =	seq.s32 @!p0 s5, $0x0  }
0x1f: {  	s9 =	smul.u32 $0xF7A, s1;
	s8 =	simm.s32 @!p0 $0x1BF5;
	p2 =	por !p2, p0  }
0x20: {  	[sflag:s8] =	ssyncset.s32 @!p0 $0xFFFFF086;
	s6 =	sadd.s32 @!p0 s3, s7;
	s7 =	simm.s32 @!p0 $0x108  }
0x21: {  	s3 =	sadd.s32 s3, s9;
	s6 =	sadd.s32 @!p0 $0x88, s6;
	s7 =	simm.s32 @p2 $0x1082  }
0x22: {  	[simem:s7], [sflag:s8] =	dma.local @!p0 [hbm:s6], $0xF7A  }
0x23: {  	s9 =	sor.u32 $0xD0000000, s2;
	s6 =	simm.s32 $0x108;
	_ =	swait.ge @!p0 [sflag:s8], $0x0  }
0x24: {  	s3 =	sadd.s32 $0x88, s3;
	s6 =	simm.s32 @!p1 $0x1082;
	[sflag:s4] =	ssyncset.s32 $0xFFFFF086  }
0x25: {  	[simem:s6], [sflag:s4] =	dma.local [hbm:s3], $0xF7A  }
0x26: {  	[smem:$0x3F9E] =	sst s1;
	(tag) =	ssettag s2;
	_ =	strace s9  }
0x27: {  	s1 =	sld [smem:$0x3FAE]  }
0x28: {  	s2 =	sld [smem:$0x3FAF]  }
0x29: {  	s4 =	sld [smem:$0x3FB1]  }
0x2a: {  	p0 =	seq.s32 s5, $0x0;
	s5 =	sld [smem:$0x3FB2]  }
0x2b: {  	s6 =	sld [smem:$0x3FB3]  }
0x2c: {  	s7 =	sld [smem:$0x3FB4]  }
0x2d: {  	s3 =	simm.s32 $0x108;
	s8 =	sld [smem:$0x3FB5]  }
0x2e: {  	s3 =	simm.s32 @!p0 $0x1082;
	s9 =	sld [smem:$0x3FB6]  }
0x2f: {  	lr =	sadd.s32 s0, s3;
	s0 =	sld [smem:$0x3FAD]  }
0x30: {  	s3 =	sld [smem:$0x3FB0]  }
0x31: {  	[smem:$0x3FB9] =	sst s10  }
0x32: {  	s10 =	sld [smem:$0x3FB7];
	_ =	sdelay $0x3  }
0x33: {  	p0 =	seq.s32 s10, $0x1;
	s10 =	sld [smem:$0x3FB9];
	_ =	sdelay $0x3  }
0x34: {  	[smem:$0x3FB9] =	sst s10  }
0x35: {  	s10 =	sld [smem:$0x3FB8];
	_ =	sdelay $0x3  }
0x36: {  	p1 =	seq.s32 s10, $0x1;
	s10 =	sld [smem:$0x3FB9];
	_ =	sdelay $0x3  }
0x37: {  	[smem:$0x3FB9] =	sst s10  }
0x38: {  	s10 =	sld [smem:$0x3FBA]  }
0x39: {  	_ = 	snop;
	(pc) =	sbr.ind lr, $3  }
0x3a: {  	_ = 	snop  }
0x3b: {  	_ = 	snop  }
0x3c: {  	p2 =	seq.s32 s10, $0x1;
	s10 =	sld [smem:$0x3FB9]  }
0x3d: {  	_ =	shalt  }
0x3e: {  	_ =	shalt  }
0x3f: {  	_ =	shalt  }
0x40: {  	_ =	shalt  }
0x41: {  	_ =	shalt  }
0x42: {  	_ =	shalt  }
0x43: {  	_ =	shalt  }
0x44: {  	_ =	shalt  }
0x45: {  	_ =	shalt  }
0x46: {  	_ =	shalt  }
0x47: {  	_ =	shalt  }
0x48: {  	_ =	shalt  }
0x49: {  	_ =	shalt  }
0x4a: {  	_ =	shalt  }
0x4b: {  	_ =	shalt  }
0x4c: {  	_ =	shalt  }
0x4d: {  	_ =	shalt  }
0x4e: {  	_ =	shalt  }
0x4f: {  	_ =	shalt  }
0x50: {  	_ =	shalt  }
0x51: {  	_ =	shalt  }
0x52: {  	_ =	shalt  }
0x53: {  	_ =	shalt  }
0x54: {  	_ =	shalt  }
0x55: {  	_ =	shalt  }
0x56: {  	_ =	shalt  }
0x57: {  	_ =	shalt  }
0x58: {  	_ =	shalt  }
0x59: {  	_ =	shalt  }
0x5a: {  	_ =	shalt  }
0x5b: {  	_ =	shalt  }
0x5c: {  	_ =	shalt  }
0x5d: {  	_ =	shalt  }
0x5e: {  	_ =	shalt  }
0x5f: {  	_ =	shalt  }
0x60: {  	_ =	shalt  }
0x61: {  	_ =	shalt  }
0x62: {  	_ =	shalt  }
0x63: {  	_ =	shalt  }
0x64: {  	_ =	shalt  }
0x65: {  	_ =	shalt  }
0x66: {  	_ =	shalt  }
0x67: {  	_ =	shalt  }
0x68: {  	_ =	shalt  }
0x69: {  	_ =	shalt  }
0x6a: {  	_ =	shalt  }
0x6b: {  	_ =	shalt  }
0x6c: {  	_ =	shalt  }
0x6d: {  	_ =	shalt  }
0x6e: {  	_ =	shalt  }
0x6f: {  	_ =	shalt  }
0x70: {  	_ =	shalt  }
0x71: {  	_ =	shalt  }
0x72: {  	_ =	shalt  }
0x73: {  	_ =	shalt  }
0x74: {  	_ =	shalt  }
0x75: {  	_ =	shalt  }
0x76: {  	_ =	shalt  }
0x77: {  	_ =	shalt  }
0x78: {  	_ =	shalt  }
0x79: {  	_ =	shalt  }
0x7a: {  	_ =	shalt  }
0x7b: {  	_ =	shalt  }
0x7c: {  	_ =	shalt  }
0x7d: {  	_ =	shalt  }
0x7e: {  	_ =	shalt  }
0x7f: {  	_ =	shalt  }
0x80: {  	_ =	shalt  }
0x81: {  	_ =	shalt  }
0x82: {  	_ =	shalt  }
0x83: {  	_ =	shalt  }
0x84: {  	_ =	shalt  }
0x85: {  	_ =	shalt  }
0x86: {  	_ =	shalt  }
0x87: {  	_ =	shalt  }
.Lfunc_end0:
.L_simem_size_0:
called_computation_lowered:
.L_overlay_start_0:
0x88: {  	s0 =	sld [smem:$0x3FD9]  }
0x89: {  	s1 =	sld [smem:$0x3FFE];
	_ =	sdelay $0x3  }
0x8a: {  	s0 =	sadd.s32 s1, s0  }
0x8b: {  	[smem:$0x3FC5] =	sst s0  }
0x8c: {  	_ = 	snop  }
0x8d: {  	s0 =	sld [smem:$0x3FC9]  }
0x8e: {  	s17 =	sld [smem:$0x3FC8]  }
0x8f: {  	s2 =	sld [smem:$0x3FC7]  }
0x90: {  	s3 =	sld [smem:$0x3FD0];
	(tm) =	ssettm $0x1  }
0x91: {  	s4 =	sld [smem:$0x3FFB];
	_ =	sdelay $0x3  }
0x92: {  	_ =	strace s4  }
0x93: {  	s4 =	sld [smem:$0x3FFC];
	_ =	sdelay $0x3  }
0x94: {  	_ =	strace s4  }
0x95: {  	s4 =	sld [smem:$0x3FFD];
	_ =	sdelay $0x3  }
0x96: {  	_ =	strace s4  }
0x97: {  	_ =	strace $0x8FFFFFFF  }
0x98: {  	s18 =	sld [smem:$0x3FDB];
	_ =	sdelay $0x1  }
0x99: {  	s5 =	simm.s32 $_scs_section_size  }
0x9a: {  	s6 =	simm.s32 $_size__tile_overlayer_lowered;
	s7 =	simm.s32 $_tile_overlayer_lowered  }
0x9b: {  	s21 =	simm.s32 $0x1BFF;
	s20 =	sshll.u32 s7, $0x1;
	s4 =	sadd.s32 s5, s18  }
0x9c: {  	s8 =	simm.s32 $0x0;
	s19 =	sshll.u32 s6, $0x1;
	s6 =	sadd.s32 s20, s4  }
0x9d: {  	[timem:s8], [sflag:s21] =	dma.local [hbm:s6], s19  }
0x9e: {  	_ =	swait.ge [sflag:s21], s19  }
0x9f: {  	s5 =	ssub.s32 $0x0, s19;
	[sflag:s21] =	ssyncset.done $0x0  }
0xa0: {  	[sflag:s21] =	ssyncadd.s32 s5;
	_ =	sdelay $0x1  }
0xa1: {  	s22 =	simm.s32 $0x1B8B  }
0xa2: {  	_ =	swait.ge [sflag:s22], $0x1  }
0xa3: {  	[sflag:s22] =	ssyncset.done $0x0  }
0xa4: {  	s23 =	simm.s32 $0x1B8E;
	[sflag:s22] =	ssyncadd.s32 $0xFFFFFFFF  }
0xa5: {  	s24 =	simm.s32 $execute0_lowered;
	[smem:$0x3FD2] =	sst s23  }
0xa6: {  	s5 =	sshll.u32 s24, $0x1;
	_ =	strace $0x80000046;
	[dreg:$0x1] =	wrdreg $0xFFFFFFFF  }
0xa7: {  	s25 =	simm.s32 $_size_execute0_lowered;
	s4 =	sadd.s32 s4, s5;
	[dreg:$0x0] =	wrdreg $0x0  }
0xa8: {  	s5 =	sshll.u32 s25, $0x1;
	[dreg:$0x2] =	wrdreg s4  }
0xa9: {  	[dreg:$0x3] =	wrdreg s5  }
0xaa: {  	[dreg:$0x4] =	wrdreg $0xC0  }
0xab: {  	_ =	task [dreg:s8], $0x5FFFF  }
0xac: {  	[dreg:$0x1] =	wrdreg $0xFFFFFFFF  }
0xad: {  	[dreg:$0x0] =	wrdreg $0x60  }
0xae: {  	[dreg:$0x2] =	wrdreg s0  }
0xaf: {  	[dreg:$0x3] =	wrdreg s17  }
0xb0: {  	[dreg:$0x4] =	wrdreg s2  }
0xb1: {  	[dreg:$0x5] =	wrdreg s3  }
0xb2: {  	[dreg:$0x6] =	wrdreg $0x22800  }
0xb3: {  	[dreg:$0x7] =	wrdreg $0x9  }
0xb4: {  	_ =	task.clear_ibuf [dreg:s8], $0x8FFFF;
	_ =	strace $0x90000046  }
0xb5: {  	s26 =	simm.s32 $0x9;
	_ =	strace $0x80000048  }
0xb6: {  	_ =	swait.ge [sflag:s26], $0x1  }
0xb7: {  	[sflag:s26] =	ssyncadd.s32 $0xFFFFFFFF  }
0xb8: {  	_ =	strace $0x90000048  }
0xb9: {  	_ =	sfence  }
0xba: {  	s28 =	sld [smem:$0x0];
	_ =	sdelay $0x1  }
0xbb: {  	s29 =	srdreg.scid  }
0xbc: {  	s30 =	sshll.u32 s29, $0xD;
	s31 =	sshrl.u32 s29, $0x2  }
0xbd: {  	s1 =	sand.u32 $0x1, s29;
	s2 =	sand.u32 $0x4000, s30;
	s0 =	sadd.s32 s31, s28  }
0xbe: {  	s1 =	sor.u32 s2, s1;
	s0 =	sshll.u32 s0, $0x11  }
0xbf: {  	s0 =	sor.u32 s0, s1  }
0xc0: {  	s0 =	sadd.s32 $0x8F2B, s0  }
0xc1: {  	[sflag:s0] =	ssyncadd.remote.s32 $0x1  }
0xc2: {  	_ =	sfence.sel $0xFFFF  }
0xc3: {  	[dreg:$0x0] =	wrdreg $0xFFFFFFFF;
	(pc) =	sbr.abs _section_cstart, $3  }
0xc4: {  	[dreg:$0x1] =	wrdreg $0xFFFFFFFF  }
0xc5: {  	_ =	task.clear_ibuf [dreg:s8], $0x2FFFF;
	_ =	strace $0x9FFFFFFF  }
0xc6: {  	(tm) =	ssettm $0x7FFFFFFF  }
0xc7: {  	_ =	shalt  }
tec
execute0_lowered:
.L_overlay_start_1:
0x0: {  	(tag) =	ssettag $0x1  }
0x1: {  	s6 =	rddreg [dreg:$0x0]  }
0x2: {  	s4 =	rddreg [dreg:$0x1]  }
0x3: {  	s7 =	rddreg [dreg:$0x2]  }
0x4: {  	s1 =	rddreg [dreg:$0x3]  }
0x5: {  	s2 =	rddreg [dreg:$0x4];
	s5 =	simm.s32 $0x0;
	s3 =	stileid.u32  }
0x6: {  	[smem:$0x7FF] =	sst s5;
	s8 =	sshll.u32 s3, $0x3  }
0x7: {  	s0 =	rddreg [dreg:$0x5];
	_ =	strace $0x80000047;
	s4 =	sadd.s32 s4, s8  }
0x8: {  	[tilespmem:s5], [sflag:$0x2] =	stream.linear.gather [hbm4b:s4+s5], $0x40, $0x38;
	[tilespmem:$0x2290] =	vst v63  }
0x9: {  	s23 =	simm.s32 $0x80;
	s24 =	simm.s32 $0x2;
	s22 =	sadd.s32 s7, s8  }
0xa: {  	[tilespmem:s23], [sflag:$0x3] =	stream.linear.gather [hbm4b:s22+s5], $0x40, $0x38;
	[tilespmem:$0x2290] =	vst v63  }
0xb: {  	_ =	swait.ge [sflag:s24], $0x40  }
0xc: {  	[sflag:s24] =	ssyncset.done $0x0  }
0xd: {  	[sflag:s24] =	ssyncadd.s32 $0xFFFFFFC0  }
0xe: {  	v0 =	vld [tilespmem:$0x0];
	_ =	sdelay $0x4  }
0xf: {  	v1 =	vshll.u32 v0, $0x3  }
0x10: {  	v2 =	vand.u32 $0x7, v0;
	v1 =	vand.u32 $0xFFFFFFC0, v1  }
0x11: {  	v0 =	vlaneseq.u32;
	v18 =	vor.u32 v2, v1;
	v2 =	vimm.s32 $0x0  }
0x12: {  	v1 =	vmul.u32 $0x8, v0;
	v4 =	vperm.xlane v18, v2  }
0x13: {  	v3 =	vimm.s32 $0x1  }
0x14: {  	v5 =	vperm.xlane v18, v3;
	v6 =	vadd.s32 v1, v4  }
0x15: {  	v4 =	vimm.s32 $0x2  }
0x16: {  	s4 =	sshll.u32 s3, $0x6;
	v7 =	vadd.s32 v1, v5;
	v8 =	vperm.xlane v18, v4  }
0x17: {  	s25 =	sand.u32 $0x380, s4;
	v5 =	vimm.s32 $0x3  }
0x18: {  	vm0 =	vmmov $0x1;
	s7 =	sadd.s32 s6, s25;
	s6 =	simm.s32 $0x100;
	v9 =	vperm.xlane v18, v5;
	v8 =	vadd.s32 v1, v8  }
0x19: {  	[tilespmem:s6], [sflag:$0x1] =	stream.indirect_vreg.gather [hbm4b:s7+s5], $0x80, v6, vm0, $0xb8;
	v6 =	vimm.s32 $0x4;
	[tilespmem:$0x2290] =	vst v63  }
0x1a: {  	s26 =	simm.s32 $0x180;
	v10 =	vadd.s32 v1, v9;
	v55 =	vperm.xlane v18, v6  }
0x1b: {  	[tilespmem:s26], [sflag:$0x1] =	stream.indirect_vreg.gather [hbm4b:s7+s5], $0x80, v7, vm0, $0xb8;
	v7 =	vimm.s32 $0x5;
	[tilespmem:$0x2290] =	vst v63  }
0x1c: {  	s28 =	simm.s32 $0x200;
	v11 =	vadd.s32 v1, v55;
	v12 =	vperm.xlane v18, v7  }
0x1d: {  	v9 =	vimm.s32 $0x6;
	[tilespmem:s28], [sflag:$0x1] =	stream.indirect_vreg.gather [hbm4b:s7+s5], $0x80, v8, vm0, $0xb8;
	[tilespmem:$0x2290] =	vst v63  }
0x1e: {  	s29 =	simm.s32 $0x280;
	v13 =	vperm.xlane v18, v9;
	v12 =	vadd.s32 v1, v12  }
0x1f: {  	v8 =	vimm.s32 $0x7;
	[tilespmem:s29], [sflag:$0x1] =	stream.indirect_vreg.gather [hbm4b:s7+s5], $0x80, v10, vm0, $0xb8;
	[tilespmem:$0x2290] =	vst v63  }
0x20: {  	s30 =	simm.s32 $0x300;
	v13 =	vadd.s32 v1, v13;
	v14 =	vperm.xlane v18, v8  }
0x21: {  	v10 =	vimm.s32 $0x8;
	[tilespmem:s30], [sflag:$0x1] =	stream.indirect_vreg.gather [hbm4b:s7+s5], $0x80, v11, vm0, $0xb8;
	[tilespmem:$0x2290] =	vst v63  }
0x22: {  	s31 =	simm.s32 $0x380;
	v14 =	vadd.s32 v1, v14;
	v15 =	vperm.xlane v18, v10  }
0x23: {  	v11 =	vimm.s32 $0x9;
	[tilespmem:s31], [sflag:$0x1] =	stream.indirect_vreg.gather [hbm4b:s7+s5], $0x80, v12, vm0, $0xb8;
	[tilespmem:$0x2290] =	vst v63  }
0x24: {  	s9 =	simm.s32 $0x400;
	v15 =	vadd.s32 v1, v15;
	v16 =	vperm.xlane v18, v11  }
0x25: {  	v12 =	vimm.s32 $0xA;
	[tilespmem:s9], [sflag:$0x1] =	stream.indirect_vreg.gather [hbm4b:s7+s5], $0x80, v13, vm0, $0xb8;
	[tilespmem:$0x2290] =	vst v63  }
0x26: {  	s10 =	simm.s32 $0x480;
	v16 =	vadd.s32 v1, v16;
	v17 =	vperm.xlane v18, v12  }
0x27: {  	v13 =	vimm.s32 $0xB;
	[tilespmem:s10], [sflag:$0x1] =	stream.indirect_vreg.gather [hbm4b:s7+s5], $0x80, v14, vm0, $0xb8;
	[tilespmem:$0x2290] =	vst v63  }
0x28: {  	s11 =	simm.s32 $0x500;
	v17 =	vadd.s32 v1, v17;
	v19 =	vperm.xlane v18, v13  }
0x29: {  	v14 =	vimm.s32 $0xC;
	[tilespmem:s11], [sflag:$0x1] =	stream.indirect_vreg.gather [hbm4b:s7+s5], $0x80, v15, vm0, $0xb8;
	[tilespmem:$0x2290] =	vst v63  }
0x2a: {  	s12 =	simm.s32 $0x580;
	v19 =	vadd.s32 v1, v19;
	v20 =	vperm.xlane v18, v14  }
0x2b: {  	v15 =	vimm.s32 $0xD;
	[tilespmem:s12], [sflag:$0x1] =	stream.indirect_vreg.gather [hbm4b:s7+s5], $0x80, v16, vm0, $0xb8;
	[tilespmem:$0x2290] =	vst v63  }
0x2c: {  	s13 =	simm.s32 $0x600;
	v20 =	vadd.s32 v1, v20;
	v21 =	vperm.xlane v18, v15  }
0x2d: {  	v16 =	vimm.s32 $0xE;
	[tilespmem:s13], [sflag:$0x1] =	stream.indirect_vreg.gather [hbm4b:s7+s5], $0x80, v17, vm0, $0xb8;
	[tilespmem:$0x2290] =	vst v63  }
0x2e: {  	s14 =	simm.s32 $0x680;
	v21 =	vadd.s32 v1, v21;
	v22 =	vperm.xlane v18, v16  }
0x2f: {  	v17 =	vimm.s32 $0xF;
	[tilespmem:s14], [sflag:$0x1] =	stream.indirect_vreg.gather [hbm4b:s7+s5], $0x80, v19, vm0, $0xb8;
	[tilespmem:$0x2290] =	vst v63  }
0x30: {  	s15 =	simm.s32 $0x700;
	v56 =	vadd.s32 v1, v22;
	v18 =	vperm.xlane v18, v17  }
0x31: {  	[tilespmem:s15], [sflag:$0x1] =	stream.indirect_vreg.gather [hbm4b:s7+s5], $0x80, v20, vm0, $0xb8;
	[tilespmem:$0x2290] =	vst v63  }
0x32: {  	s16 =	simm.s32 $0x780;
	v18 =	vadd.s32 v1, v18  }
0x33: {  	[tilespmem:s16], [sflag:$0x1] =	stream.indirect_vreg.gather [hbm4b:s7+s5], $0x80, v21, vm0, $0xb8;
	[tilespmem:$0x2290] =	vst v63  }
0x34: {  	s17 =	simm.s32 $0x800  }
0x35: {  	[tilespmem:s17], [sflag:$0x1] =	stream.indirect_vreg.gather [hbm4b:s7+s5], $0x80, v56, vm0, $0xb8;
	[tilespmem:$0x2290] =	vst v63  }
0x36: {  	s18 =	simm.s32 $0x880  }
0x37: {  	[tilespmem:s18], [sflag:$0x1] =	stream.indirect_vreg.gather [hbm4b:s7+s5], $0x80, v18, vm0, $0xb8;
	[tilespmem:$0x2290] =	vst v63  }
0x38: {  	v18 =	vld [tilespmem:$0x10];
	_ =	sdelay $0x4  }
0x39: {  	v57 =	vshll.u32 v18, $0x3  }
0x3a: {  	v18 =	vand.u32 $0x7, v18;
	v19 =	vand.u32 $0xFFFFFFC0, v57  }
0x3b: {  	v18 =	vor.u32 v18, v19  }
0x3c: {  	v19 =	vperm.xlane v18, v2;
	_ =	sdelay $0x1  }
0x3d: {  	v58 =	vperm.xlane v18, v3;
	v19 =	vadd.s32 v1, v19;
	_ =	sdelay $0x1  }
0x3e: {  	v59 =	vperm.xlane v18, v4;
	v20 =	vadd.s32 v1, v58;
	_ =	sdelay $0x1  }
0x3f: {  	s19 =	simm.s32 $0x900;
	v60 =	vperm.xlane v18, v5;
	v21 =	vadd.s32 v1, v59  }
0x40: {  	[tilespmem:s19], [sflag:$0x1] =	stream.indirect_vreg.gather [hbm4b:s7+s5], $0x80, v19, vm0, $0xb8;
	[tilespmem:$0x2290] =	vst v63  }
0x41: {  	s20 =	simm.s32 $0x980;
	v62 =	vperm.xlane v18, v6;
	v61 =	vadd.s32 v1, v60  }
0x42: {  	[tilespmem:s20], [sflag:$0x1] =	stream.indirect_vreg.gather [hbm4b:s7+s5], $0x80, v20, vm0, $0xb8;
	[tilespmem:$0x2290] =	vst v63  }
0x43: {  	s21 =	simm.s32 $0xA00;
	v24 =	vperm.xlane v18, v7;
	v63 =	vadd.s32 v1, v62  }
0x44: {  	[tilespmem:s21], [sflag:$0x1] =	stream.indirect_vreg.gather [hbm4b:s7+s5], $0x80, v21, vm0, $0xb8;
	[tilespmem:$0x2290] =	vst v63  }
0x45: {  	s22 =	simm.s32 $0xA80;
	v26 =	vperm.xlane v18, v9;
	v25 =	vadd.s32 v1, v24  }
0x46: {  	[tilespmem:s22], [sflag:$0x1] =	stream.indirect_vreg.gather [hbm4b:s7+s5], $0x80, v61, vm0, $0xb8;
	[tilespmem:$0x2290] =	vst v63  }
0x47: {  	s23 =	simm.s32 $0xB00;
	v28 =	vperm.xlane v18, v8;
	v27 =	vadd.s32 v1, v26  }
0x48: {  	[tilespmem:s23], [sflag:$0x1] =	stream.indirect_vreg.gather [hbm4b:s7+s5], $0x80, v63, vm0, $0xb8;
	[tilespmem:$0x2290] =	vst v63  }
0x49: {  	s24 =	simm.s32 $0xB80;
	v30 =	vperm.xlane v18, v10;
	v29 =	vadd.s32 v1, v28  }
0x4a: {  	[tilespmem:s24], [sflag:$0x1] =	stream.indirect_vreg.gather [hbm4b:s7+s5], $0x80, v25, vm0, $0xb8;
	[tilespmem:$0x2290] =	vst v63  }
0x4b: {  	s25 =	simm.s32 $0xC00;
	v32 =	vperm.xlane v18, v11;
	v31 =	vadd.s32 v1, v30  }
0x4c: {  	[tilespmem:s25], [sflag:$0x1] =	stream.indirect_vreg.gather [hbm4b:s7+s5], $0x80, v27, vm0, $0xb8;
	[tilespmem:$0x2290] =	vst v63  }
0x4d: {  	s26 =	simm.s32 $0xC80;
	v34 =	vperm.xlane v18, v12;
	v33 =	vadd.s32 v1, v32  }
0x4e: {  	[tilespmem:s26], [sflag:$0x1] =	stream.indirect_vreg.gather [hbm4b:s7+s5], $0x80, v29, vm0, $0xb8;
	[tilespmem:$0x2290] =	vst v63  }
0x4f: {  	s28 =	simm.s32 $0xD00;
	v36 =	vperm.xlane v18, v13;
	v35 =	vadd.s32 v1, v34  }
0x50: {  	[tilespmem:s28], [sflag:$0x1] =	stream.indirect_vreg.gather [hbm4b:s7+s5], $0x80, v31, vm0, $0xb8;
	[tilespmem:$0x2290] =	vst v63  }
0x51: {  	s29 =	simm.s32 $0xD80;
	v38 =	vperm.xlane v18, v14;
	v37 =	vadd.s32 v1, v36  }
0x52: {  	[tilespmem:s29], [sflag:$0x1] =	stream.indirect_vreg.gather [hbm4b:s7+s5], $0x80, v33, vm0, $0xb8;
	[tilespmem:$0x2290] =	vst v63  }
0x53: {  	s30 =	simm.s32 $0xE00;
	v40 =	vperm.xlane v18, v15;
	v39 =	vadd.s32 v1, v38  }
0x54: {  	[tilespmem:s30], [sflag:$0x1] =	stream.indirect_vreg.gather [hbm4b:s7+s5], $0x80, v35, vm0, $0xb8;
	[tilespmem:$0x2290] =	vst v63  }
0x55: {  	s31 =	simm.s32 $0xE80;
	v42 =	vperm.xlane v18, v16;
	v41 =	vadd.s32 v1, v40  }
0x56: {  	[tilespmem:s31], [sflag:$0x1] =	stream.indirect_vreg.gather [hbm4b:s7+s5], $0x80, v37, vm0, $0xb8;
	[tilespmem:$0x2290] =	vst v63  }
0x57: {  	s9 =	simm.s32 $0xF00;
	v18 =	vperm.xlane v18, v17;
	v43 =	vadd.s32 v1, v42  }
0x58: {  	[tilespmem:s9], [sflag:$0x1] =	stream.indirect_vreg.gather [hbm4b:s7+s5], $0x80, v39, vm0, $0xb8;
	[tilespmem:$0x2290] =	vst v63  }
0x59: {  	s10 =	simm.s32 $0xF80;
	v18 =	vadd.s32 v1, v18  }
0x5a: {  	[tilespmem:s10], [sflag:$0x1] =	stream.indirect_vreg.gather [hbm4b:s7+s5], $0x80, v41, vm0, $0xb8;
	[tilespmem:$0x2290] =	vst v63  }
0x5b: {  	s11 =	simm.s32 $0x1000  }
0x5c: {  	[tilespmem:s11], [sflag:$0x1] =	stream.indirect_vreg.gather [hbm4b:s7+s5], $0x80, v43, vm0, $0xb8;
	[tilespmem:$0x2290] =	vst v63  }
0x5d: {  	s12 =	simm.s32 $0x1080  }
0x5e: {  	[tilespmem:s12], [sflag:$0x1] =	stream.indirect_vreg.gather [hbm4b:s7+s5], $0x80, v18, vm0, $0xb8;
	[tilespmem:$0x2290] =	vst v63  }
0x5f: {  	v18 =	vld [tilespmem:$0x20];
	_ =	sdelay $0x4  }
0x60: {  	v44 =	vshll.u32 v18, $0x3  }
0x61: {  	v18 =	vand.u32 $0x7, v18;
	v19 =	vand.u32 $0xFFFFFFC0, v44  }
0x62: {  	v18 =	vor.u32 v18, v19  }
0x63: {  	v19 =	vperm.xlane v18, v2;
	_ =	sdelay $0x1  }
0x64: {  	v45 =	vperm.xlane v18, v3;
	v19 =	vadd.s32 v1, v19;
	_ =	sdelay $0x1  }
0x65: {  	v46 =	vperm.xlane v18, v4;
	v20 =	vadd.s32 v1, v45;
	_ =	sdelay $0x1  }
0x66: {  	s13 =	simm.s32 $0x1100;
	v47 =	vperm.xlane v18, v5;
	v21 =	vadd.s32 v1, v46  }
0x67: {  	[tilespmem:s13], [sflag:$0x1] =	stream.indirect_vreg.gather [hbm4b:s7+s5], $0x80, v19, vm0, $0xb8;
	[tilespmem:$0x2290] =	vst v63  }
0x68: {  	s14 =	simm.s32 $0x1180;
	v49 =	vperm.xlane v18, v6;
	v48 =	vadd.s32 v1, v47  }
0x69: {  	[tilespmem:s14], [sflag:$0x1] =	stream.indirect_vreg.gather [hbm4b:s7+s5], $0x80, v20, vm0, $0xb8;
	[tilespmem:$0x2290] =	vst v63  }
0x6a: {  	s15 =	simm.s32 $0x1200;
	v51 =	vperm.xlane v18, v7;
	v50 =	vadd.s32 v1, v49  }
0x6b: {  	[tilespmem:s15], [sflag:$0x1] =	stream.indirect_vreg.gather [hbm4b:s7+s5], $0x80, v21, vm0, $0xb8;
	[tilespmem:$0x2290] =	vst v63  }
0x6c: {  	s16 =	simm.s32 $0x1280;
	v53 =	vperm.xlane v18, v9;
	v52 =	vadd.s32 v1, v51  }
0x6d: {  	[tilespmem:s16], [sflag:$0x1] =	stream.indirect_vreg.gather [hbm4b:s7+s5], $0x80, v48, vm0, $0xb8;
	[tilespmem:$0x2290] =	vst v63  }
0x6e: {  	s17 =	simm.s32 $0x1300;
	v55 =	vperm.xlane v18, v8;
	v54 =	vadd.s32 v1, v53  }
0x6f: {  	[tilespmem:s17], [sflag:$0x1] =	stream.indirect_vreg.gather [hbm4b:s7+s5], $0x80, v50, vm0, $0xb8;
	[tilespmem:$0x2290] =	vst v63  }
0x70: {  	s18 =	simm.s32 $0x1380;
	v57 =	vperm.xlane v18, v10;
	v56 =	vadd.s32 v1, v55  }
0x71: {  	[tilespmem:s18], [sflag:$0x1] =	stream.indirect_vreg.gather [hbm4b:s7+s5], $0x80, v52, vm0, $0xb8;
	[tilespmem:$0x2290] =	vst v63  }
0x72: {  	s19 =	simm.s32 $0x1400;
	v59 =	vperm.xlane v18, v11;
	v58 =	vadd.s32 v1, v57  }
0x73: {  	[tilespmem:s19], [sflag:$0x1] =	stream.indirect_vreg.gather [hbm4b:s7+s5], $0x80, v54, vm0, $0xb8;
	[tilespmem:$0x2290] =	vst v63  }
0x74: {  	s20 =	simm.s32 $0x1480;
	v61 =	vperm.xlane v18, v12;
	v60 =	vadd.s32 v1, v59  }
0x75: {  	[tilespmem:s20], [sflag:$0x1] =	stream.indirect_vreg.gather [hbm4b:s7+s5], $0x80, v56, vm0, $0xb8;
	[tilespmem:$0x2290] =	vst v63  }
0x76: {  	s21 =	simm.s32 $0x1500;
	v63 =	vperm.xlane v18, v13;
	v62 =	vadd.s32 v1, v61  }
0x77: {  	[tilespmem:s21], [sflag:$0x1] =	stream.indirect_vreg.gather [hbm4b:s7+s5], $0x80, v58, vm0, $0xb8;
	[tilespmem:$0x2290] =	vst v63  }
0x78: {  	s22 =	simm.s32 $0x1580;
	v25 =	vperm.xlane v18, v14;
	v24 =	vadd.s32 v1, v63  }
0x79: {  	[tilespmem:s22], [sflag:$0x1] =	stream.indirect_vreg.gather [hbm4b:s7+s5], $0x80, v60, vm0, $0xb8;
	[tilespmem:$0x2290] =	vst v63  }
0x7a: {  	s23 =	simm.s32 $0x1600;
	v27 =	vperm.xlane v18, v15;
	v26 =	vadd.s32 v1, v25  }
0x7b: {  	[tilespmem:s23], [sflag:$0x1] =	stream.indirect_vreg.gather [hbm4b:s7+s5], $0x80, v62, vm0, $0xb8;
	[tilespmem:$0x2290] =	vst v63  }
0x7c: {  	s24 =	simm.s32 $0x1680;
	v29 =	vperm.xlane v18, v16;
	v28 =	vadd.s32 v1, v27  }
0x7d: {  	[tilespmem:s24], [sflag:$0x1] =	stream.indirect_vreg.gather [hbm4b:s7+s5], $0x80, v24, vm0, $0xb8;
	[tilespmem:$0x2290] =	vst v63  }
0x7e: {  	s25 =	simm.s32 $0x1700;
	v18 =	vperm.xlane v18, v17;
	v30 =	vadd.s32 v1, v29  }
0x7f: {  	[tilespmem:s25], [sflag:$0x1] =	stream.indirect_vreg.gather [hbm4b:s7+s5], $0x80, v26, vm0, $0xb8;
	[tilespmem:$0x2290] =	vst v63  }
0x80: {  	s26 =	simm.s32 $0x1780;
	v18 =	vadd.s32 v1, v18  }
0x81: {  	[tilespmem:s26], [sflag:$0x1] =	stream.indirect_vreg.gather [hbm4b:s7+s5], $0x80, v28, vm0, $0xb8;
	[tilespmem:$0x2290] =	vst v63  }
0x82: {  	s28 =	simm.s32 $0x1800  }
0x83: {  	[tilespmem:s28], [sflag:$0x1] =	stream.indirect_vreg.gather [hbm4b:s7+s5], $0x80, v30, vm0, $0xb8;
	[tilespmem:$0x2290] =	vst v63  }
0x84: {  	s29 =	simm.s32 $0x1880  }
0x85: {  	[tilespmem:s29], [sflag:$0x1] =	stream.indirect_vreg.gather [hbm4b:s7+s5], $0x80, v18, vm0, $0xb8;
	[tilespmem:$0x2290] =	vst v63  }
0x86: {  	v18 =	vld [tilespmem:$0x30];
	_ =	sdelay $0x4  }
0x87: {  	v31 =	vshll.u32 v18, $0x3  }
0x88: {  	v18 =	vand.u32 $0x7, v18;
	v19 =	vand.u32 $0xFFFFFFC0, v31  }
0x89: {  	v18 =	vor.u32 v18, v19  }
0x8a: {  	v2 =	vperm.xlane v18, v2;
	_ =	sdelay $0x1  }
0x8b: {  	v3 =	vperm.xlane v18, v3;
	v2 =	vadd.s32 v1, v2;
	_ =	sdelay $0x1  }
0x8c: {  	v4 =	vperm.xlane v18, v4;
	v3 =	vadd.s32 v1, v3;
	_ =	sdelay $0x1  }
0x8d: {  	s30 =	simm.s32 $0x1900;
	v5 =	vperm.xlane v18, v5;
	v4 =	vadd.s32 v1, v4  }
0x8e: {  	[tilespmem:s30], [sflag:$0x1] =	stream.indirect_vreg.gather [hbm4b:s7+s5], $0x80, v2, vm0, $0xb8;
	[tilespmem:$0x2290] =	vst v63  }
0x8f: {  	s31 =	simm.s32 $0x1980;
	v33 =	vperm.xlane v18, v6;
	v32 =	vadd.s32 v1, v5  }
0x90: {  	[tilespmem:s31], [sflag:$0x1] =	stream.indirect_vreg.gather [hbm4b:s7+s5], $0x80, v3, vm0, $0xb8;
	[tilespmem:$0x2290] =	vst v63  }
0x91: {  	s9 =	simm.s32 $0x1A00;
	v35 =	vperm.xlane v18, v7;
	v34 =	vadd.s32 v1, v33  }
0x92: {  	[tilespmem:s9], [sflag:$0x1] =	stream.indirect_vreg.gather [hbm4b:s7+s5], $0x80, v4, vm0, $0xb8;
	[tilespmem:$0x2290] =	vst v63  }
0x93: {  	s10 =	simm.s32 $0x1A80;
	v37 =	vperm.xlane v18, v9;
	v36 =	vadd.s32 v1, v35  }
0x94: {  	[tilespmem:s10], [sflag:$0x1] =	stream.indirect_vreg.gather [hbm4b:s7+s5], $0x80, v32, vm0, $0xb8;
	[tilespmem:$0x2290] =	vst v63  }
0x95: {  	s11 =	simm.s32 $0x1B00;
	v39 =	vperm.xlane v18, v8;
	v38 =	vadd.s32 v1, v37  }
0x96: {  	[tilespmem:s11], [sflag:$0x1] =	stream.indirect_vreg.gather [hbm4b:s7+s5], $0x80, v34, vm0, $0xb8;
	[tilespmem:$0x2290] =	vst v63  }
0x97: {  	s12 =	simm.s32 $0x1B80;
	v41 =	vperm.xlane v18, v10;
	v40 =	vadd.s32 v1, v39  }
0x98: {  	[tilespmem:s12], [sflag:$0x1] =	stream.indirect_vreg.gather [hbm4b:s7+s5], $0x80, v36, vm0, $0xb8;
	[tilespmem:$0x2290] =	vst v63  }
0x99: {  	s13 =	simm.s32 $0x1C00;
	v43 =	vperm.xlane v18, v11;
	v42 =	vadd.s32 v1, v41  }
0x9a: {  	[tilespmem:s13], [sflag:$0x1] =	stream.indirect_vreg.gather [hbm4b:s7+s5], $0x80, v38, vm0, $0xb8;
	[tilespmem:$0x2290] =	vst v63  }
0x9b: {  	s14 =	simm.s32 $0x1C80;
	v45 =	vperm.xlane v18, v12;
	v44 =	vadd.s32 v1, v43  }
0x9c: {  	[tilespmem:s14], [sflag:$0x1] =	stream.indirect_vreg.gather [hbm4b:s7+s5], $0x80, v40, vm0, $0xb8;
	[tilespmem:$0x2290] =	vst v63  }
0x9d: {  	s15 =	simm.s32 $0x1D00;
	v47 =	vperm.xlane v18, v13;
	v46 =	vadd.s32 v1, v45  }
0x9e: {  	[tilespmem:s15], [sflag:$0x1] =	stream.indirect_vreg.gather [hbm4b:s7+s5], $0x80, v42, vm0, $0xb8;
	[tilespmem:$0x2290] =	vst v63  }
0x9f: {  	s16 =	simm.s32 $0x1D80;
	v49 =	vperm.xlane v18, v14;
	v48 =	vadd.s32 v1, v47  }
0xa0: {  	[tilespmem:s16], [sflag:$0x1] =	stream.indirect_vreg.gather [hbm4b:s7+s5], $0x80, v44, vm0, $0xb8;
	[tilespmem:$0x2290] =	vst v63  }
0xa1: {  	s17 =	simm.s32 $0x1E00;
	v51 =	vperm.xlane v18, v15;
	v50 =	vadd.s32 v1, v49  }
0xa2: {  	[tilespmem:s17], [sflag:$0x1] =	stream.indirect_vreg.gather [hbm4b:s7+s5], $0x80, v46, vm0, $0xb8;
	[tilespmem:$0x2290] =	vst v63  }
0xa3: {  	s18 =	simm.s32 $0x1E80;
	v53 =	vperm.xlane v18, v16;
	v52 =	vadd.s32 v1, v51  }
0xa4: {  	[tilespmem:s18], [sflag:$0x1] =	stream.indirect_vreg.gather [hbm4b:s7+s5], $0x80, v48, vm0, $0xb8;
	[tilespmem:$0x2290] =	vst v63  }
0xa5: {  	s19 =	simm.s32 $0x1F00;
	v55 =	vperm.xlane v18, v17;
	v54 =	vadd.s32 v1, v53  }
0xa6: {  	[tilespmem:s19], [sflag:$0x1] =	stream.indirect_vreg.gather [hbm4b:s7+s5], $0x80, v50, vm0, $0xb8;
	[tilespmem:$0x2290] =	vst v63  }
0xa7: {  	s20 =	simm.s32 $0x1F80;
	v1 =	vadd.s32 v1, v55  }
0xa8: {  	[tilespmem:s20], [sflag:$0x1] =	stream.indirect_vreg.gather [hbm4b:s7+s5], $0x80, v52, vm0, $0xb8;
	[tilespmem:$0x2290] =	vst v63  }
0xa9: {  	s21 =	simm.s32 $0x2000  }
0xaa: {  	[tilespmem:s21], [sflag:$0x1] =	stream.indirect_vreg.gather [hbm4b:s7+s5], $0x80, v54, vm0, $0xb8;
	[tilespmem:$0x2290] =	vst v63  }
0xab: {  	s22 =	simm.s32 $0x2080;
	s23 =	simm.s32 $0x3  }
0xac: {  	v0 =	vmul.u32 $0x81, v0;
	[tilespmem:s22], [sflag:$0x1] =	stream.indirect_vreg.gather [hbm4b:s7+s5], $0x80, v1, vm0, $0xb8;
	[tilespmem:$0x2290] =	vst v63  }
0xad: {  	s24 =	sand.u32 $0x40, s4;
	_ =	swait.ge [sflag:s23], $0x40  }
0xae: {  	v56 =	vor.u32 s24, v0;
	[sflag:s23] =	ssyncset.done $0x0  }
0xaf: {  	v57 =	vor.u32 $0x800, v0;
	s25 =	sor.u32 $0x10, s24;
	s26 =	simm.s32 $0x1;
	[sflag:s23] =	ssyncadd.s32 $0xFFFFFFC0  }
0xb0: {  	v2 =	vor.u32 s25, v57;
	_ =	swait.ge [sflag:s26], $0x2000  }
0xb1: {  	v58 =	vor.u32 $0x1000, v0;
	s28 =	sor.u32 $0x20, s24;
	[sflag:s26] =	ssyncset.done $0x0  }
0xb2: {  	v3 =	vor.u32 s28, v58;
	[sflag:s26] =	ssyncadd.s32 $0xFFFFE000  }
0xb3: {  	v0 =	vor.u32 $0x1800, v0;
	s29 =	sor.u32 $0x30, s24;
	v1 =	vld.idx.msk [tilespmem:v56+s6+$0x0], $0xffff  }
0xb4: {  	v0 =	vor.u32 s29, v0;
	v59 =	vld [tilespmem:$0x80]  }
0xb5: {  	v2 =	vld.idx.msk [tilespmem:v2+s6+$0x0], $0xffff  }
0xb6: {  	v60 =	vld [tilespmem:$0x90]  }
0xb7: {  	v3 =	vld.idx.msk [tilespmem:v3+s6+$0x0], $0xffff  }
0xb8: {  	v61 =	vld [tilespmem:$0xA0]  }
0xb9: {  	v0 =	vld.idx.msk [tilespmem:v0+s6+$0x0], $0xffff;
	v1 =	vmul.f32 v59, v1  }
0xba: {  	v62 =	vld [tilespmem:$0xB0]  }
0xbb: {  	v2 =	vmul.f32 v60, v2;
	v1 =	vadd.f32 $0.0e+00, v1;
	_ =	sdelay $0x1  }
0xbc: {  	v63 =	vmul.f32 v61, v3;
	v1 =	vadd.f32 v2, v1;
	_ =	sdelay $0x1  }
0xbd: {  	v0 =	vmul.f32 v62, v0;
	v1 =	vadd.f32 v63, v1;
	_ =	sdelay $0x1  }
0xbe: {  	v0 =	vadd.f32 v0, v1  }
0xbf: {  	s4 =	sshrl.u32 s4, $0x2  }
0xc0: {  	s4 =	sadd.s32 s4, s2;
	s30 =	simm.s32 $0x2100;
	s31 =	simm.s32 $0x4;
	[tilespmem:$0x2100] =	vst v0  }
0xc1: {  	[spmem:s4] =	stream.linear.scatter [tilespmem:s30], [sflag:$0x4], $0x10, $0x38;
	[tilespmem:$0x2290] =	vst v63  }
0xc2: {  	_ =	swait.ge [sflag:s31], $0x10  }
0xc3: {  	[sflag:s31] =	ssyncset.done $0x0  }
0xc4: {  	[sflag:s31] =	ssyncadd.s32 $0xFFFFFFF0  }
0xc5: {  	p0 =	sne.s32 s3, $0x0;
	[bflag:$0x0] =	sbarrier.arrive $0xFFFF  }
0xc6: {  	_ =	sfence.sel @p0 $0x180000  }
0xc7: {  	[bflag:$0x0] =	sbarrier.arrive @p0 $0xFFFF  }
0xc8: {  	_ =	strace @p0 $0x90000047  }
0xc9: {  	s3 =	simm.s32 @!p0 $0x2180;
	[bflag:$0x2] =	sbarrier.arrive @p0 $0xFFFF  }
0xca: {  	[tilespmem:s3], [sflag:$0x4] =	stream.linear.gather @!p0 [spmem:s2], $0x100, $0x38;
	[tilespmem:$0x2290] =	vst v63  }
0xcb: {  	s2 =	simm.s32 @!p0 $0x4  }
0xcc: {  	_ =	swait.ge @!p0 [sflag:s2], $0x100  }
0xcd: {  	[sflag:s2] =	ssyncset.done @!p0 $0x0  }
0xce: {  	[sflag:s2] =	ssyncadd.s32 @!p0 $0xFFFFFF00  }
0xcf: {  	v0 =	vld @!p0 [tilespmem:$0x2180];
	_ =	sdelay $0x1  }
0xd0: {  	v1 =	vld @!p0 [tilespmem:$0x2190];
	_ =	sdelay $0x1  }
0xd1: {  	v2 =	vld @!p0 [tilespmem:$0x21A0]  }
0xd2: {  	v0 =	vadd.f32 @!p0 $0.0e+00, v0  }
0xd3: {  	v3 =	vld @!p0 [tilespmem:$0x21B0]  }
0xd4: {  	v0 =	vadd.f32 @!p0 v1, v0  }
0xd5: {  	v1 =	vld @!p0 [tilespmem:$0x21C0]  }
0xd6: {  	v0 =	vadd.f32 @!p0 v2, v0  }
0xd7: {  	v2 =	vld @!p0 [tilespmem:$0x21D0]  }
0xd8: {  	v0 =	vadd.f32 @!p0 v3, v0  }
0xd9: {  	v3 =	vld @!p0 [tilespmem:$0x21E0]  }
0xda: {  	v0 =	vadd.f32 @!p0 v1, v0  }
0xdb: {  	v1 =	vld @!p0 [tilespmem:$0x21F0]  }
0xdc: {  	v0 =	vadd.f32 @!p0 v2, v0  }
0xdd: {  	v2 =	vld @!p0 [tilespmem:$0x2200]  }
0xde: {  	v0 =	vadd.f32 @!p0 v3, v0  }
0xdf: {  	v3 =	vld @!p0 [tilespmem:$0x2210]  }
0xe0: {  	v0 =	vadd.f32 @!p0 v1, v0  }
0xe1: {  	v1 =	vld @!p0 [tilespmem:$0x2220]  }
0xe2: {  	v0 =	vadd.f32 @!p0 v2, v0  }
0xe3: {  	v2 =	vld @!p0 [tilespmem:$0x2230]  }
0xe4: {  	v0 =	vadd.f32 @!p0 v3, v0  }
0xe5: {  	v3 =	vld @!p0 [tilespmem:$0x2240]  }
0xe6: {  	v0 =	vadd.f32 @!p0 v1, v0  }
0xe7: {  	v1 =	vld @!p0 [tilespmem:$0x2250]  }
0xe8: {  	v0 =	vadd.f32 @!p0 v2, v0  }
0xe9: {  	v2 =	vld @!p0 [tilespmem:$0x2260]  }
0xea: {  	v0 =	vadd.f32 @!p0 v3, v0  }
0xeb: {  	v3 =	vld @!p0 [tilespmem:$0x2270]  }
0xec: {  	v0 =	vadd.f32 @!p0 v1, v0;
	_ =	sdelay $0x1  }
0xed: {  	v0 =	vadd.f32 @!p0 v2, v0;
	_ =	sdelay $0x1  }
0xee: {  	v0 =	vadd.f32 @!p0 v3, v0;
	_ =	sdelay $0x1  }
0xef: {  	(xrf2) =	vadd.scan.msk.f32 @!p0 $0xffff, v0;
	_ =	sdelay $0x9  }
0xf0: {  	v0, _, _ =	vpop @!p0 (xrf2)  }
0xf1: {  	(v2sf) =	vpush @!p0 v0, $0xF;
	_ =	sdelay $0xe  }
0xf2: {  	s3 =	spop @!p0 (v2sf)  }
0xf3: {  	s3 =	ssub.f32 @!p0 $0.0e+00, s3;
	_ =	sdelay $0x1  }
0xf4: {  	v0 =	vmov @!p0 s3  }
0xf5: {  	s4 =	simm.s32 @!p0 $0x2100;
	s3 =	simm.s32 @!p0 $0x0;
	[tilespmem:$0x2100] =	vst @!p0 v0  }
0xf6: {  	[hbm4b:s1+s3] =	stream.linear.scatter @!p0 [tilespmem:s4], [sflag:$0x4], $0x80, $0x38;
	[tilespmem:$0x2290] =	vst v63  }
0xf7: {  	_ =	swait.ge @!p0 [sflag:s2], $0x80  }
0xf8: {  	[sflag:s2] =	ssyncset.done @!p0 $0x0  }
0xf9: {  	[sflag:s2] =	ssyncadd.s32 @!p0 $0xFFFFFF80  }
0xfa: {  	_ =	sfence.sel @!p0 $0x180000  }
0xfb: {  	[bflag:$0x0] =	sbarrier.arrive @!p0 $0xFFFF  }
0xfc: {  	_ =	strace @!p0 $0x90000047  }
0xfd: {  	s0 =	sadd.s32 @!p0 $0x100000, s0;
	[bflag:$0x2] =	sbarrier.arrive @!p0 $0xFFFF  }
0xfe: {  	[sflag:s0] =	ssyncadd.tile.s32 @!p0 $0x1;
	_ =	shalt  }
.Lfunc_end2:
_tile_overlayer_lowered:
.L_overlay_start_2:
0xff: {  	(tag) =	ssettag $0x2  }
0x100: {  	s0 =	rddreg [dreg:$0x0];
	s2 =	stileid.u32  }
0x101: {  	s1 =	rddreg [dreg:$0x1];
	p0 =	sne.s32 s2, $0x0  }
0x102: {  	s3 =	rddreg [dreg:$0x2];
	[bflag:$0x3] =	sbarrier.arrive $0xFFFF;
	s2 =	simm.s32 @!p0 $0x1C04  }
0x103: {  	[timem:s3], [sflag:s2] =	dma.local @!p0 [hbm:s0], s1  }
0x104: {  	s0 =	simm.s32 @!p0 $0x4  }
0x105: {  	_ =	swait.ge @!p0 [sflag:s0], s1  }
0x106: {  	s1 =	ssub.s32 @!p0 $0x0, s1;
	[sflag:s0] =	ssyncset.done @!p0 $0x0  }
0x107: {  	[sflag:s0] =	ssyncadd.s32 @!p0 s1  }
0x108: {  	[bflag:$0x3] =	sbarrier.arrive $0xFFFF  }
0x109: {  	_ =	shalt  }

</sc_bundles>
